<compile_context>
chip_gen: v7x
topology: tpu7x:2x2x1
jax: 0.10.2.dev20260603
libtpu: 0.0.44.dev20260713+nightly
codegen_flags: <defaults>
</compile_context>

<pallas_src>
import functools

import jax
import jax.numpy as jnp
from jax import lax
from jax.experimental import pallas as pl
from jax.experimental.pallas import tpu as pltpu
from jax.experimental.pallas import tpu_sc as plsc

_VOCAB = 1000000
_EMB = 64
_CTX = 200

_NC = 2
_NS = 16
_ROWS_PER_W = 8
_ACTIVE_W = _CTX // _ROWS_PER_W

_BV = 8000
_NB = _VOCAB // _BV
_BF = 25000
_NF = _VOCAB // _BF


def _sc_gather(idx, table):
  mesh = plsc.VectorSubcoreMesh(core_axis_name="c", subcore_axis_name="s",
                                num_cores=_NC, num_subcores=_NS)

  @functools.partial(
      pl.kernel, mesh=mesh,
      out_type=jax.ShapeDtypeStruct((_CTX, _EMB), jnp.float32),
      scratch_types=[
          pltpu.VMEM((_ROWS_PER_W,), jnp.int32),
          pltpu.VMEM((_ROWS_PER_W, _EMB), jnp.float32),
          pltpu.SemaphoreType.DMA,
      ],
      compiler_params=pltpu.CompilerParams(use_tc_tiling_on_sc=False),
  )
  def gather_kernel(idx_hbm, table_hbm, out_hbm, idx_v, rows_v, sem):
    wid = lax.axis_index("s") * _NC + lax.axis_index("c")

    @pl.when(wid < _ACTIVE_W)
    def _():
      base = wid * _ROWS_PER_W
      pltpu.sync_copy(idx_hbm.at[pl.ds(base, _ROWS_PER_W)], idx_v)
      pltpu.async_copy(table_hbm.at[idx_v], rows_v, sem).wait()
      pltpu.sync_copy(rows_v, out_hbm.at[pl.ds(base, _ROWS_PER_W)])

  return gather_kernel(idx, table)


def _matvec_body(rows_ref, w_ref, b_ref, out_ref, lse_ref, m_ref, s_ref):
  i = pl.program_id(0)
  bow = jnp.sum(rows_ref[...], axis=0, keepdims=True)
  out = lax.dot_general(bow, w_ref[0], (((1,), (1,)), ((), ())),
                        preferred_element_type=jnp.float32)
  out = out + b_ref[0]
  out_ref[0] = out
  bm = jnp.max(out, keepdims=True)

  @pl.when(i == 0)
  def _():
    m_ref[...] = bm
    s_ref[...] = jnp.sum(jnp.exp(out - bm), keepdims=True)

  @pl.when(i > 0)
  def _():
    m_old = m_ref[...]
    m_new = jnp.maximum(m_old, bm)
    s_ref[...] = (s_ref[...] * jnp.exp(m_old - m_new)
                  + jnp.sum(jnp.exp(out - m_new), keepdims=True))
    m_ref[...] = m_new

  @pl.when(i == _NB - 1)
  def _():
    lse_ref[...] = m_ref[...] + jnp.log(s_ref[...])


def _finalize_body(out_raw_ref, lse_ref, lp_ref):
  lp_ref[0] = out_raw_ref[0] - lse_ref[...]


def _matvec(rows, w3, b3, *, interpret=False):
  return pl.pallas_call(
      _matvec_body,
      grid=(_NB,),
      in_specs=[
          pl.BlockSpec((_CTX, _EMB), lambda i: (0, 0)),
          pl.BlockSpec((1, _BV, _EMB), lambda i: (i, 0, 0)),
          pl.BlockSpec((1, 1, _BV), lambda i: (i, 0, 0)),
      ],
      out_specs=[
          pl.BlockSpec((1, 1, _BV), lambda i: (i, 0, 0)),
          pl.BlockSpec((1, 1), lambda i: (0, 0)),
      ],
      out_shape=[
          jax.ShapeDtypeStruct((_NB, 1, _BV), jnp.float32),
          jax.ShapeDtypeStruct((1, 1), jnp.float32),
      ],
      scratch_shapes=[
          pltpu.VMEM((1, 1), jnp.float32),
          pltpu.VMEM((1, 1), jnp.float32),
      ],
      interpret=interpret,
  )(rows, w3, b3)


def _finalize(out3, lse, *, interpret=False):
  return pl.pallas_call(
      _finalize_body,
      grid=(_NF,),
      in_specs=[
          pl.BlockSpec((1, 1, _BF), lambda i: (i, 0, 0)),
          pl.BlockSpec((1, 1), lambda i: (0, 0)),
      ],
      out_specs=pl.BlockSpec((1, 1, _BF), lambda i: (i, 0, 0)),
      out_shape=jax.ShapeDtypeStruct((_NF, 1, _BF), jnp.float32),
      interpret=interpret,
  )(out3, lse)


def kernel(input, emb_table, W, b):
  idx = input.astype(jnp.int32)
  rows = _sc_gather(idx, emb_table)
  w3 = W.reshape(_NB, _BV, _EMB)
  b3 = b.reshape(_NB, 1, _BV)
  out3, lse = _matvec(rows, w3, b3)
  lp3 = _finalize(out3.reshape(_NF, 1, _BF), lse)
  return lp3.reshape(1, _VOCAB)

# --- scband reference (transcript-rebuilt; emitter-appended) ---
"""Pipeline reference for scband-cbow-10204842295552 (READ-ONLY COPY).

The authoritative reference and input builder live on the scoring server;
editing this copy changes nothing except your own understanding.
"""

import jax, jax.numpy as jnp
import numpy as np

VOCAB = 1000000
EMB = 64
CTX = 200

def setup_inputs(seed: int = 0) -> dict:
    key = jax.random.key(seed)
    k1, k2, k3, k4 = jax.random.split(key, 4)
    inp = jax.random.randint(k1, (CTX,), 0, VOCAB, dtype=jnp.int64) if jax.config.jax_enable_x64 else jax.random.randint(k1, (CTX,), 0, VOCAB).astype(jnp.int32)
    emb_table = jax.random.normal(k2, (VOCAB, EMB), dtype=jnp.float32) * 0.02
    W = jax.random.normal(k3, (VOCAB, EMB), dtype=jnp.float32) * 0.02  # torch Linear weight: [out_features, in_features]
    b = jax.random.normal(k4, (VOCAB,), dtype=jnp.float32) * 0.02
    return {"input": inp, "emb_table": emb_table, "W": W, "b": b}

def reference(input, emb_table, W, b):
    # context_embeddings = self.embedding(input)  -> gather
    context_embeddings = jnp.take(emb_table, input, axis=0)
    # bow_embeddings = torch.sum(context_embeddings, dim=0).view(1, -1)
    bow_embeddings = jnp.sum(context_embeddings, axis=0).reshape(1, -1)
    # out = self.linear(bow_embeddings)
    out = bow_embeddings @ W.T + b
    # log_probs = F.log_softmax(out, dim=1)
    log_probs = jax.nn.log_softmax(out, axis=1)
    return log_probs

if __name__ == "__main__":
    import jax
    _d = setup_inputs()
    print(jax.jit(kernel)(*tuple(_d.values())))

</pallas_src>

<mosaic_0001>
#map = affine_map<(d0, d1) -> (0)>
#map1 = affine_map<(d0, d1) -> (0, 0)>
module attributes {stable_mosaic.version = 14 : i64} {
  func.func @gather_kernel(%arg0: i32, %arg1: i32, %arg2: memref<200xi32, #tpu.memory_space<hbm>>, %arg3: memref<1000000x64xf32, #tpu.memory_space<hbm>>, %arg4: memref<200x64xf32, #tpu.memory_space<hbm>>, %arg5: memref<8xi32, #tpu.memory_space<vmem>>, %arg6: memref<8x64xf32, #tpu.memory_space<vmem>>, %arg7: memref<!tpu.dma_semaphore, #tpu.memory_space<semaphore_mem>>) attributes {dimension_semantics = [#tpu.dimension_semantics<core_parallel>, #tpu.dimension_semantics<subcore_parallel>], iteration_bounds = array<i64: 2, 16>, scalar_prefetch = 0 : i64, scratch_operands = 3 : i64, tpu.core_type = #tpu.core_type<sc_vector_subcore>, window_params = [{transform_indices = #map}, {transform_indices = #map1}, {transform_indices = #map1}]} {
    %mul3A = arith.constant 2 : i32
    %mul3A_0 = arith.muli %arg1, %mul3A : i32
    %add3A = arith.addi %mul3A_0, %arg0 : i32
    %lt3A = arith.constant 25 : i32
    %lt3A_1 = arith.cmpi slt, %add3A, %lt3A : i32
    %convert_element_type3A = arith.extui %lt3A_1 : i1 to i32
    %cond3A = arith.constant 0 : i32
    %cond3A_2 = arith.cmpi ne, %convert_element_type3A, %cond3A : i32
    scf.if %cond3A_2 {
      %mul3A_3 = arith.constant 8 : i32
      %mul3A_4 = arith.muli %add3A, %mul3A_3 : i32
      "tpu.region"() ({
        %run_scoped3A = tpu.sem_alloc : memref<!tpu.dma_semaphore, #tpu.memory_space<semaphore_mem>>
        %dma_start3A_9 = tpu.memref_slice %arg2[%mul3A_4] : memref<200xi32, #tpu.memory_space<hbm>> -> memref<8xi32, #tpu.memory_space<hbm>>
        %dma_start3A_10 = tpu.memref_slice %arg2[%mul3A_4] : memref<200xi32, #tpu.memory_space<hbm>> -> memref<8xi32, #tpu.memory_space<hbm>>
        tpu.enqueue_dma source(%dma_start3A_10 : memref<8xi32, #tpu.memory_space<hbm>>) target(%arg5 : memref<8xi32, #tpu.memory_space<vmem>>) target_semaphore(%run_scoped3A : memref<!tpu.dma_semaphore, #tpu.memory_space<semaphore_mem>>)
        %dma_wait3A_11 = tpu.memref_slice %arg2[%mul3A_4] : memref<200xi32, #tpu.memory_space<hbm>> -> memref<8xi32, #tpu.memory_space<hbm>>
        %dma_wait3A_12 = tpu.memref_slice %arg2[%mul3A_4] : memref<200xi32, #tpu.memory_space<hbm>> -> memref<8xi32, #tpu.memory_space<hbm>>
        tpu.wait_dma2 semaphore(%run_scoped3A : memref<!tpu.dma_semaphore, #tpu.memory_space<semaphore_mem>>) src(%dma_wait3A_12 : memref<8xi32, #tpu.memory_space<hbm>>) dst(%arg5 : memref<8xi32, #tpu.memory_space<vmem>>)
        tpu.yield
      }) : () -> ()
      %dma_start3A = arith.constant 0 : i32
      %dma_start3A_5 = arith.constant 0 : i32
      %dma_start3A_6 = tpu.memref_slice %arg3[%dma_start3A, %dma_start3A_5] : memref<1000000x64xf32, #tpu.memory_space<hbm>> -> memref<1000000x64xf32, #tpu.memory_space<hbm>>
      tpu.enqueue_indirect_dma source(%dma_start3A_6 : memref<1000000x64xf32, #tpu.memory_space<hbm>>) target(%arg6 : memref<8x64xf32, #tpu.memory_space<vmem>>) offsets(%arg5 : memref<8xi32, #tpu.memory_space<vmem>>) semaphore(%arg7 : memref<!tpu.dma_semaphore, #tpu.memory_space<semaphore_mem>>)
      %dma_wait3A = arith.constant 0 : i32
      %dma_wait3A_7 = arith.constant 0 : i32
      %dma_wait3A_8 = tpu.memref_slice %arg3[%dma_wait3A, %dma_wait3A_7] : memref<1000000x64xf32, #tpu.memory_space<hbm>> -> memref<1000000x64xf32, #tpu.memory_space<hbm>>
      tpu.wait_indirect_dma semaphore(%arg7 : memref<!tpu.dma_semaphore, #tpu.memory_space<semaphore_mem>>) src(%dma_wait3A_8 : memref<1000000x64xf32, #tpu.memory_space<hbm>>) dst(%arg6 : memref<8x64xf32, #tpu.memory_space<vmem>>)
      "tpu.region"() ({
        %run_scoped3A = tpu.sem_alloc : memref<!tpu.dma_semaphore, #tpu.memory_space<semaphore_mem>>
        %dma_start3A_9 = arith.constant 0 : i32
        %dma_start3A_10 = tpu.memref_slice %arg4[%mul3A_4, %dma_start3A_9] : memref<200x64xf32, #tpu.memory_space<hbm>> -> memref<8x64xf32, #tpu.memory_space<hbm>>
        %dma_start3A_11 = arith.constant 0 : i32
        %dma_start3A_12 = tpu.memref_slice %arg4[%mul3A_4, %dma_start3A_11] : memref<200x64xf32, #tpu.memory_space<hbm>> -> memref<8x64xf32, #tpu.memory_space<hbm>>
        tpu.enqueue_dma source(%arg6 : memref<8x64xf32, #tpu.memory_space<vmem>>) target(%dma_start3A_12 : memref<8x64xf32, #tpu.memory_space<hbm>>) target_semaphore(%run_scoped3A : memref<!tpu.dma_semaphore, #tpu.memory_space<semaphore_mem>>)
        %dma_wait3A_13 = arith.constant 0 : i32
        %dma_wait3A_14 = tpu.memref_slice %arg4[%mul3A_4, %dma_wait3A_13] : memref<200x64xf32, #tpu.memory_space<hbm>> -> memref<8x64xf32, #tpu.memory_space<hbm>>
        %dma_wait3A_15 = arith.constant 0 : i32
        %dma_wait3A_16 = tpu.memref_slice %arg4[%mul3A_4, %dma_wait3A_15] : memref<200x64xf32, #tpu.memory_space<hbm>> -> memref<8x64xf32, #tpu.memory_space<hbm>>
        tpu.wait_dma2 semaphore(%run_scoped3A : memref<!tpu.dma_semaphore, #tpu.memory_space<semaphore_mem>>) src(%arg6 : memref<8x64xf32, #tpu.memory_space<vmem>>) dst(%dma_wait3A_16 : memref<8x64xf32, #tpu.memory_space<hbm>>)
        tpu.yield
      }) : () -> ()
    } else {
    }
    return
  }
}

module attributes {stable_mosaic.version = 14 : i64} {
  func.func @_matvec_body(%arg0: i32, %arg1: memref<200x64xf32, #tpu.memory_space<vmem>>, %arg2: memref<1x8000x64xf32, #tpu.memory_space<vmem>>, %arg3: memref<1x1x8000xf32, #tpu.memory_space<vmem>>, %arg4: memref<1x1x8000xf32, #tpu.memory_space<vmem>>, %arg5: memref<1x1xf32, #tpu.memory_space<vmem>>, %arg6: memref<1x1xf32, #tpu.memory_space<vmem>>, %arg7: memref<1x1xf32, #tpu.memory_space<vmem>>) attributes {dimension_semantics = [#tpu.dimension_semantics<arbitrary>], iteration_bounds = array<i64: 125>, scalar_prefetch = 0 : i64, scratch_operands = 2 : i64, tpu.core_type = #tpu.core_type<tc>, window_params = [{pipeline_mode = #tpu.pipeline_mode<synchronous>, transform_indices = @transform_0, window_bounds = array<i64: 200, 64>}, {transform_indices = @transform_1, window_bounds = array<i64: 1, 8000, 64>}, {transform_indices = @transform_2, window_bounds = array<i64: 1, 1, 8000>}, {transform_indices = @transform_3, window_bounds = array<i64: 1, 1, 8000>}, {pipeline_mode = #tpu.pipeline_mode<synchronous>, transform_indices = @transform_4, window_bounds = array<i64: 1, 1>}]} {
    %get3A = arith.constant 0 : index
    %get3A_0 = arith.constant 0 : index
    %get3A_1 = vector.load %arg1[%get3A, %get3A_0] : memref<200x64xf32, #tpu.memory_space<vmem>>, vector<200x64xf32>
    %reduce_sum3A = arith.constant dense<0.000000e+00> : vector<64xf32>
    %reduce_sum3A_2 = vector.multi_reduction <add>, %get3A_1, %reduce_sum3A [0] : vector<200x64xf32> to vector<64xf32>
    %broadcast_in_dim3A = vector.shape_cast %reduce_sum3A_2 : vector<64xf32> to vector<1x64xf32>
    %get3A_3 = arith.constant 0 : index
    %get3A_4 = arith.constant 0 : index
    %get3A_5 = arith.constant 0 : index
    %get3A_6 = vector.load %arg2[%get3A_3, %get3A_4, %get3A_5] : memref<1x8000x64xf32, #tpu.memory_space<vmem>>, vector<1x8000x64xf32>
    %get3A_7 = vector.shape_cast %get3A_6 : vector<1x8000x64xf32> to vector<8000x64xf32>
    %dot_general3A = arith.constant dense<0.000000e+00> : vector<1x8000xf32>
    %dot_general3A_8 = tpu.matmul %broadcast_in_dim3A, %get3A_7, %dot_general3A {dimension_numbers = #tpu.dot_dimension_numbers<[1], [1], [0], [0], [0, 0, 1, 0], [], []>, transpose_lhs_hint = false} : vector<1x64xf32>, vector<8000x64xf32>, vector<1x8000xf32> -> vector<1x8000xf32>
    %get3A_9 = arith.constant 0 : index
    %get3A_10 = arith.constant 0 : index
    %get3A_11 = arith.constant 0 : index
    %get3A_12 = vector.load %arg3[%get3A_9, %get3A_10, %get3A_11] : memref<1x1x8000xf32, #tpu.memory_space<vmem>>, vector<1x1x8000xf32>
    %get3A_13 = vector.shape_cast %get3A_12 : vector<1x1x8000xf32> to vector<1x8000xf32>
    %add3A = arith.addf %dot_general3A_8, %get3A_13 : vector<1x8000xf32>
    %swap3A = arith.constant 0 : index
    %swap3A_14 = arith.constant 0 : index
    %swap3A_15 = arith.constant 0 : index
    %swap3A_16 = vector.load %arg4[%swap3A, %swap3A_14, %swap3A_15] : memref<1x1x8000xf32, #tpu.memory_space<vmem>>, vector<1x1x8000xf32>
    %swap3A_17 = vector.shape_cast %swap3A_16 : vector<1x1x8000xf32> to vector<1x8000xf32>
    %swap3A_18 = vector.shape_cast %add3A : vector<1x8000xf32> to vector<1x1x8000xf32>
    tpu.vector_store %arg4[%swap3A, %swap3A_14, %swap3A_15], %swap3A_18 {strides = array<i32>} : memref<1x1x8000xf32, #tpu.memory_space<vmem>>, vector<1x1x8000xf32>,
    %reduce_max3A = vector.shape_cast %add3A : vector<1x8000xf32> to vector<1x1x8000xf32>
    %reduce_max3A_19 = arith.constant dense<0xFF800000> : vector<1xf32>
    %reduce_max3A_20 = vector.multi_reduction <maximumf>, %reduce_max3A, %reduce_max3A_19 [1, 2] : vector<1x1x8000xf32> to vector<1xf32>
    %reduce_max3A_21 = vector.shape_cast %reduce_max3A_20 : vector<1xf32> to vector<1x1x1xf32>
    %reduce_max3A_22 = vector.extract %reduce_max3A_21[0, 0, 0] : f32 from vector<1x1x1xf32>
    %broadcast_in_dim3A_23 = vector.broadcast %reduce_max3A_22 : f32 to vector<1x1xf32>
    %eq3A = arith.constant 0 : i32
    %eq3A_24 = arith.cmpi eq, %arg0, %eq3A : i32
    %convert_element_type3A = arith.extui %eq3A_24 : i1 to i32
    %cond3A = arith.constant 0 : i32
    %cond3A_25 = arith.cmpi ne, %convert_element_type3A, %cond3A : i32
    scf.if %cond3A_25 {
      %swap3A_35 = arith.constant 0 : index
      %swap3A_36 = arith.constant 0 : index
      %swap3A_37 = vector.load %arg6[%swap3A_35, %swap3A_36] : memref<1x1xf32, #tpu.memory_space<vmem>>, vector<1x1xf32>
      tpu.vector_store %arg6[%swap3A_35, %swap3A_36], %broadcast_in_dim3A_23 {strides = array<i32>} : memref<1x1xf32, #tpu.memory_space<vmem>>, vector<1x1xf32>,
      %sub3A = vector.broadcast %broadcast_in_dim3A_23 : vector<1x1xf32> to vector<1x8000xf32>
      %sub3A_38 = arith.subf %add3A, %sub3A : vector<1x8000xf32>
      %exp3A = math.exp %sub3A_38 : vector<1x8000xf32>
      %reduce_sum3A_39 = vector.shape_cast %exp3A : vector<1x8000xf32> to vector<1x1x8000xf32>
      %reduce_sum3A_40 = arith.constant dense<0.000000e+00> : vector<1xf32>
      %reduce_sum3A_41 = vector.multi_reduction <add>, %reduce_sum3A_39, %reduce_sum3A_40 [1, 2] : vector<1x1x8000xf32> to vector<1xf32>
      %reduce_sum3A_42 = vector.shape_cast %reduce_sum3A_41 : vector<1xf32> to vector<1x1x1xf32>
      %reduce_sum3A_43 = vector.extract %reduce_sum3A_42[0, 0, 0] : f32 from vector<1x1x1xf32>
      %broadcast_in_dim3A_44 = vector.broadcast %reduce_sum3A_43 : f32 to vector<1x1xf32>
      %swap3A_45 = arith.constant 0 : index
      %swap3A_46 = arith.constant 0 : index
      %swap3A_47 = vector.load %arg7[%swap3A_45, %swap3A_46] : memref<1x1xf32, #tpu.memory_space<vmem>>, vector<1x1xf32>
      tpu.vector_store %arg7[%swap3A_45, %swap3A_46], %broadcast_in_dim3A_44 {strides = array<i32>} : memref<1x1xf32, #tpu.memory_space<vmem>>, vector<1x1xf32>,
    } else {
    }
    %gt3A = arith.constant 0 : i32
    %gt3A_26 = arith.cmpi sgt, %arg0, %gt3A : i32
    %convert_element_type3A_27 = arith.extui %gt3A_26 : i1 to i32
    %cond3A_28 = arith.constant 0 : i32
    %cond3A_29 = arith.cmpi ne, %convert_element_type3A_27, %cond3A_28 : i32
    scf.if %cond3A_29 {
      %get3A_35 = arith.constant 0 : index
      %get3A_36 = arith.constant 0 : index
      %get3A_37 = vector.load %arg6[%get3A_35, %get3A_36] : memref<1x1xf32, #tpu.memory_space<vmem>>, vector<1x1xf32>
      %max3A = arith.maximumf %get3A_37, %broadcast_in_dim3A_23 : vector<1x1xf32>
      %get3A_38 = arith.constant 0 : index
      %get3A_39 = arith.constant 0 : index
      %get3A_40 = vector.load %arg7[%get3A_38, %get3A_39] : memref<1x1xf32, #tpu.memory_space<vmem>>, vector<1x1xf32>
      %sub3A = arith.subf %get3A_37, %max3A : vector<1x1xf32>
      %exp3A = math.exp %sub3A : vector<1x1xf32>
      %mul3A = arith.mulf %get3A_40, %exp3A : vector<1x1xf32>
      %sub3A_41 = vector.broadcast %max3A : vector<1x1xf32> to vector<1x8000xf32>
      %sub3A_42 = arith.subf %add3A, %sub3A_41 : vector<1x8000xf32>
      %exp3A_43 = math.exp %sub3A_42 : vector<1x8000xf32>
      %reduce_sum3A_44 = vector.shape_cast %exp3A_43 : vector<1x8000xf32> to vector<1x1x8000xf32>
      %reduce_sum3A_45 = arith.constant dense<0.000000e+00> : vector<1xf32>
      %reduce_sum3A_46 = vector.multi_reduction <add>, %reduce_sum3A_44, %reduce_sum3A_45 [1, 2] : vector<1x1x8000xf32> to vector<1xf32>
      %reduce_sum3A_47 = vector.shape_cast %reduce_sum3A_46 : vector<1xf32> to vector<1x1x1xf32>
      %reduce_sum3A_48 = vector.extract %reduce_sum3A_47[0, 0, 0] : f32 from vector<1x1x1xf32>
      %broadcast_in_dim3A_49 = vector.broadcast %reduce_sum3A_48 : f32 to vector<1x1xf32>
      %add3A_50 = arith.addf %mul3A, %broadcast_in_dim3A_49 : vector<1x1xf32>
      %swap3A_51 = arith.constant 0 : index
      %swap3A_52 = arith.constant 0 : index
      %swap3A_53 = vector.load %arg7[%swap3A_51, %swap3A_52] : memref<1x1xf32, #tpu.memory_space<vmem>>, vector<1x1xf32>
      tpu.vector_store %arg7[%swap3A_51, %swap3A_52], %add3A_50 {strides = array<i32>} : memref<1x1xf32, #tpu.memory_space<vmem>>, vector<1x1xf32>,
      %swap3A_54 = arith.constant 0 : index
      %swap3A_55 = arith.constant 0 : index
      %swap3A_56 = vector.load %arg6[%swap3A_54, %swap3A_55] : memref<1x1xf32, #tpu.memory_space<vmem>>, vector<1x1xf32>
      tpu.vector_store %arg6[%swap3A_54, %swap3A_55], %max3A {strides = array<i32>} : memref<1x1xf32, #tpu.memory_space<vmem>>, vector<1x1xf32>,
    } else {
    }
    %eq3A_30 = arith.constant 124 : i32
    %eq3A_31 = arith.cmpi eq, %arg0, %eq3A_30 : i32
    %convert_element_type3A_32 = arith.extui %eq3A_31 : i1 to i32
    %cond3A_33 = arith.constant 0 : i32
    %cond3A_34 = arith.cmpi ne, %convert_element_type3A_32, %cond3A_33 : i32
    scf.if %cond3A_34 {
      %get3A_35 = arith.constant 0 : index
      %get3A_36 = arith.constant 0 : index
      %get3A_37 = vector.load %arg6[%get3A_35, %get3A_36] : memref<1x1xf32, #tpu.memory_space<vmem>>, vector<1x1xf32>
      %get3A_38 = arith.constant 0 : index
      %get3A_39 = arith.constant 0 : index
      %get3A_40 = vector.load %arg7[%get3A_38, %get3A_39] : memref<1x1xf32, #tpu.memory_space<vmem>>, vector<1x1xf32>
      %log3A = math.log %get3A_40 : vector<1x1xf32>
      %add3A_41 = arith.addf %get3A_37, %log3A : vector<1x1xf32>
      %swap3A_42 = arith.constant 0 : index
      %swap3A_43 = arith.constant 0 : index
      %swap3A_44 = vector.load %arg5[%swap3A_42, %swap3A_43] : memref<1x1xf32, #tpu.memory_space<vmem>>, vector<1x1xf32>
      tpu.vector_store %arg5[%swap3A_42, %swap3A_43], %add3A_41 {strides = array<i32>} : memref<1x1xf32, #tpu.memory_space<vmem>>, vector<1x1xf32>,
    } else {
    }
    return
  }
  func.func @transform_0(%arg0: i32) -> (i32, i32) {
    %c0_i32 = arith.constant 0 : i32
    %c0_i32_0 = arith.constant 0 : i32
    %c0_i32_1 = arith.constant 0 : i32
    return %c0_i32, %c0_i32_0 : i32, i32
  }
  func.func @transform_1(%arg0: i32) -> (i32, i32, i32) {
    %c0_i32 = arith.constant 0 : i32
    %c0_i32_0 = arith.constant 0 : i32
    %c0_i32_1 = arith.constant 0 : i32
    return %arg0, %c0_i32, %c0_i32_0 : i32, i32, i32
  }
  func.func @transform_2(%arg0: i32) -> (i32, i32, i32) {
    %c0_i32 = arith.constant 0 : i32
    %c0_i32_0 = arith.constant 0 : i32
    %c0_i32_1 = arith.constant 0 : i32
    return %arg0, %c0_i32, %c0_i32_0 : i32, i32, i32
  }
  func.func @transform_3(%arg0: i32) -> (i32, i32, i32) {
    %c0_i32 = arith.constant 0 : i32
    %c0_i32_0 = arith.constant 0 : i32
    %c0_i32_1 = arith.constant 0 : i32
    return %arg0, %c0_i32, %c0_i32_0 : i32, i32, i32
  }
  func.func @transform_4(%arg0: i32) -> (i32, i32) {
    %c0_i32 = arith.constant 0 : i32
    %c0_i32_0 = arith.constant 0 : i32
    %c0_i32_1 = arith.constant 0 : i32
    return %c0_i32, %c0_i32_0 : i32, i32
  }
}

module attributes {stable_mosaic.version = 14 : i64} {
  func.func @_finalize_body(%arg0: i32, %arg1: memref<1x1x25000xf32, #tpu.memory_space<vmem>>, %arg2: memref<1x1xf32, #tpu.memory_space<vmem>>, %arg3: memref<1x1x25000xf32, #tpu.memory_space<vmem>>) attributes {dimension_semantics = [#tpu.dimension_semantics<arbitrary>], iteration_bounds = array<i64: 40>, scalar_prefetch = 0 : i64, scratch_operands = 0 : i64, tpu.core_type = #tpu.core_type<tc>, window_params = [{transform_indices = @transform_0, window_bounds = array<i64: 1, 1, 25000>}, {pipeline_mode = #tpu.pipeline_mode<synchronous>, transform_indices = @transform_1, window_bounds = array<i64: 1, 1>}, {transform_indices = @transform_2, window_bounds = array<i64: 1, 1, 25000>}]} {
    %get3A = arith.constant 0 : index
    %get3A_0 = arith.constant 0 : index
    %get3A_1 = arith.constant 0 : index
    %get3A_2 = vector.load %arg1[%get3A, %get3A_0, %get3A_1] : memref<1x1x25000xf32, #tpu.memory_space<vmem>>, vector<1x1x25000xf32>
    %get3A_3 = vector.shape_cast %get3A_2 : vector<1x1x25000xf32> to vector<1x25000xf32>
    %get3A_4 = arith.constant 0 : index
    %get3A_5 = arith.constant 0 : index
    %get3A_6 = vector.load %arg2[%get3A_4, %get3A_5] : memref<1x1xf32, #tpu.memory_space<vmem>>, vector<1x1xf32>
    %sub3A = vector.broadcast %get3A_6 : vector<1x1xf32> to vector<1x25000xf32>
    %sub3A_7 = arith.subf %get3A_3, %sub3A : vector<1x25000xf32>
    %swap3A = arith.constant 0 : index
    %swap3A_8 = arith.constant 0 : index
    %swap3A_9 = arith.constant 0 : index
    %swap3A_10 = vector.load %arg3[%swap3A, %swap3A_8, %swap3A_9] : memref<1x1x25000xf32, #tpu.memory_space<vmem>>, vector<1x1x25000xf32>
    %swap3A_11 = vector.shape_cast %swap3A_10 : vector<1x1x25000xf32> to vector<1x25000xf32>
    %swap3A_12 = vector.shape_cast %sub3A_7 : vector<1x25000xf32> to vector<1x1x25000xf32>
    tpu.vector_store %arg3[%swap3A, %swap3A_8, %swap3A_9], %swap3A_12 {strides = array<i32>} : memref<1x1x25000xf32, #tpu.memory_space<vmem>>, vector<1x1x25000xf32>,
    return
  }
  func.func @transform_0(%arg0: i32) -> (i32, i32, i32) {
    %c0_i32 = arith.constant 0 : i32
    %c0_i32_0 = arith.constant 0 : i32
    %c0_i32_1 = arith.constant 0 : i32
    return %arg0, %c0_i32, %c0_i32_0 : i32, i32, i32
  }
  func.func @transform_1(%arg0: i32) -> (i32, i32) {
    %c0_i32 = arith.constant 0 : i32
    %c0_i32_0 = arith.constant 0 : i32
    %c0_i32_1 = arith.constant 0 : i32
    return %c0_i32, %c0_i32_0 : i32, i32
  }
  func.func @transform_2(%arg0: i32) -> (i32, i32, i32) {
    %c0_i32 = arith.constant 0 : i32
    %c0_i32_0 = arith.constant 0 : i32
    %c0_i32_1 = arith.constant 0 : i32
    return %arg0, %c0_i32, %c0_i32_0 : i32, i32, i32
  }
}

</mosaic_0001>

<sc_bundles>
// kernel: kernel.5.cloned.1.call-start
scs
__scs_entry_jumppad:
0x0: {  	(pc) =	sbr.rel $0x88, $3  }
0x1: {  	(tag) =	ssettag $0x0;
	lr =	simm.s32 $0x1  }
0x2: {  	[smem:$0x3F9D] =	sst lr;
	_ =	strace $0xD0000000  }
0x3: {  	_ = 	snop  }
0x4: {  	_ = 	snop  }
0x5: {  	_ = 	snop  }
0x6: {  	_ = 	snop  }
0x7: {  	_ = 	snop  }
__scs_overlays_trampoline_lowered:
0x8: {  	[smem:$0x3FAC] =	sst s0  }
0x9: {  	[smem:$0x3FAD] =	sst s1  }
0xa: {  	[smem:$0x3FAE] =	sst s2  }
0xb: {  	[smem:$0x3FAF] =	sst s3  }
0xc: {  	[smem:$0x3FB0] =	sst s4  }
0xd: {  	[smem:$0x3FB1] =	sst s5  }
0xe: {  	[smem:$0x3FB2] =	sst s6  }
0xf: {  	[smem:$0x3FB3] =	sst s7  }
0x10: {  	[smem:$0x3FB4] =	sst s8  }
0x11: {  	[smem:$0x3FB5] =	sst s9;
	s0 =	simm.s32 @!p0 $0x0  }
0x12: {  	s1 =	sld [smem:$0x3F9B];
	s0 =	simm.s32 @p0 $0x1  }
0x13: {  	[smem:$0x3FB6] =	sst s0;
	s0 =	simm.s32 @!p1 $0x0  }
0x14: {  	s2 =	sld [smem:$0x3F9A];
	s0 =	simm.s32 @p1 $0x1  }
0x15: {  	[smem:$0x3FB7] =	sst s0;
	s0 =	simm.s32 @!p2 $0x0  }
0x16: {  	s3 =	sld [smem:$0x3FDB];
	s0 =	simm.s32 @p2 $0x1  }
0x17: {  	s4 =	simm.s32 $0x1BF5;
	[smem:$0x3FB9] =	sst s0  }
0x18: {  	s0 =	sld [smem:$0x3F9C];
	_ =	swait.ge [sflag:s4], $0x0  }
0x19: {  	s7 =	sld [smem:$0x3F9D]  }
0x1a: {  	s8 =	sadd.s32 $0xFFFFE003, lr  }
0x1b: {  	s9 =	sadd.s32 $0xFFFFFEF7, lr;
	s5 =	simm.s32 $0xFFFFFFFF;
	p2 =	slt.u32 s8, $0xFFFFF086  }
0x1c: {  	p1 =	slt.u32 s9, $0xF7A;
	s5 =	simm.s32 @!p2 $0x0  }
0x1d: {  	s5 =	simm.s32 @p1 $0x1;
	p0 =	seq.s32 s7, s2  }
0x1e: {  	s7 =	smul.u32 @!p0 $0xF7A, s2;
	p2 =	seq.s32 @!p0 s5, $0x0  }
0x1f: {  	s9 =	smul.u32 $0xF7A, s1;
	s8 =	simm.s32 @!p0 $0x1BF5;
	p2 =	por !p2, p0  }
0x20: {  	[sflag:s8] =	ssyncset.s32 @!p0 $0xFFFFF086;
	s6 =	sadd.s32 @!p0 s3, s7;
	s7 =	simm.s32 @!p0 $0x108  }
0x21: {  	s3 =	sadd.s32 s3, s9;
	s6 =	sadd.s32 @!p0 $0x88, s6;
	s7 =	simm.s32 @p2 $0x1082  }
0x22: {  	[simem:s7], [sflag:s8] =	dma.local @!p0 [hbm:s6], $0xF7A  }
0x23: {  	s9 =	sor.u32 $0xD0000000, s2;
	s6 =	simm.s32 $0x108;
	_ =	swait.ge @!p0 [sflag:s8], $0x0  }
0x24: {  	s3 =	sadd.s32 $0x88, s3;
	s6 =	simm.s32 @!p1 $0x1082;
	[sflag:s4] =	ssyncset.s32 $0xFFFFF086  }
0x25: {  	[simem:s6], [sflag:s4] =	dma.local [hbm:s3], $0xF7A  }
0x26: {  	[smem:$0x3F9D] =	sst s1;
	(tag) =	ssettag s2;
	_ =	strace s9  }
0x27: {  	s1 =	sld [smem:$0x3FAD]  }
0x28: {  	s2 =	sld [smem:$0x3FAE]  }
0x29: {  	s4 =	sld [smem:$0x3FB0]  }
0x2a: {  	p0 =	seq.s32 s5, $0x0;
	s5 =	sld [smem:$0x3FB1]  }
0x2b: {  	s6 =	sld [smem:$0x3FB2]  }
0x2c: {  	s7 =	sld [smem:$0x3FB3]  }
0x2d: {  	s3 =	simm.s32 $0x108;
	s8 =	sld [smem:$0x3FB4]  }
0x2e: {  	s3 =	simm.s32 @!p0 $0x1082;
	s9 =	sld [smem:$0x3FB5]  }
0x2f: {  	lr =	sadd.s32 s0, s3;
	s0 =	sld [smem:$0x3FAC]  }
0x30: {  	s3 =	sld [smem:$0x3FAF]  }
0x31: {  	[smem:$0x3FB8] =	sst s10  }
0x32: {  	s10 =	sld [smem:$0x3FB6];
	_ =	sdelay $0x3  }
0x33: {  	p0 =	seq.s32 s10, $0x1;
	s10 =	sld [smem:$0x3FB8];
	_ =	sdelay $0x3  }
0x34: {  	[smem:$0x3FB8] =	sst s10  }
0x35: {  	s10 =	sld [smem:$0x3FB7];
	_ =	sdelay $0x3  }
0x36: {  	p1 =	seq.s32 s10, $0x1;
	s10 =	sld [smem:$0x3FB8];
	_ =	sdelay $0x3  }
0x37: {  	[smem:$0x3FB8] =	sst s10  }
0x38: {  	s10 =	sld [smem:$0x3FB9]  }
0x39: {  	_ = 	snop;
	(pc) =	sbr.ind lr, $3  }
0x3a: {  	_ = 	snop  }
0x3b: {  	_ = 	snop  }
0x3c: {  	p2 =	seq.s32 s10, $0x1;
	s10 =	sld [smem:$0x3FB8]  }
0x3d: {  	_ =	shalt  }
0x3e: {  	_ =	shalt  }
0x3f: {  	_ =	shalt  }
0x40: {  	_ =	shalt  }
0x41: {  	_ =	shalt  }
0x42: {  	_ =	shalt  }
0x43: {  	_ =	shalt  }
0x44: {  	_ =	shalt  }
0x45: {  	_ =	shalt  }
0x46: {  	_ =	shalt  }
0x47: {  	_ =	shalt  }
0x48: {  	_ =	shalt  }
0x49: {  	_ =	shalt  }
0x4a: {  	_ =	shalt  }
0x4b: {  	_ =	shalt  }
0x4c: {  	_ =	shalt  }
0x4d: {  	_ =	shalt  }
0x4e: {  	_ =	shalt  }
0x4f: {  	_ =	shalt  }
0x50: {  	_ =	shalt  }
0x51: {  	_ =	shalt  }
0x52: {  	_ =	shalt  }
0x53: {  	_ =	shalt  }
0x54: {  	_ =	shalt  }
0x55: {  	_ =	shalt  }
0x56: {  	_ =	shalt  }
0x57: {  	_ =	shalt  }
0x58: {  	_ =	shalt  }
0x59: {  	_ =	shalt  }
0x5a: {  	_ =	shalt  }
0x5b: {  	_ =	shalt  }
0x5c: {  	_ =	shalt  }
0x5d: {  	_ =	shalt  }
0x5e: {  	_ =	shalt  }
0x5f: {  	_ =	shalt  }
0x60: {  	_ =	shalt  }
0x61: {  	_ =	shalt  }
0x62: {  	_ =	shalt  }
0x63: {  	_ =	shalt  }
0x64: {  	_ =	shalt  }
0x65: {  	_ =	shalt  }
0x66: {  	_ =	shalt  }
0x67: {  	_ =	shalt  }
0x68: {  	_ =	shalt  }
0x69: {  	_ =	shalt  }
0x6a: {  	_ =	shalt  }
0x6b: {  	_ =	shalt  }
0x6c: {  	_ =	shalt  }
0x6d: {  	_ =	shalt  }
0x6e: {  	_ =	shalt  }
0x6f: {  	_ =	shalt  }
0x70: {  	_ =	shalt  }
0x71: {  	_ =	shalt  }
0x72: {  	_ =	shalt  }
0x73: {  	_ =	shalt  }
0x74: {  	_ =	shalt  }
0x75: {  	_ =	shalt  }
0x76: {  	_ =	shalt  }
0x77: {  	_ =	shalt  }
0x78: {  	_ =	shalt  }
0x79: {  	_ =	shalt  }
0x7a: {  	_ =	shalt  }
0x7b: {  	_ =	shalt  }
0x7c: {  	_ =	shalt  }
0x7d: {  	_ =	shalt  }
0x7e: {  	_ =	shalt  }
0x7f: {  	_ =	shalt  }
0x80: {  	_ =	shalt  }
0x81: {  	_ =	shalt  }
0x82: {  	_ =	shalt  }
0x83: {  	_ =	shalt  }
0x84: {  	_ =	shalt  }
0x85: {  	_ =	shalt  }
0x86: {  	_ =	shalt  }
0x87: {  	_ =	shalt  }
.Lfunc_end0:
.L_simem_size_0:
called_computation_lowered:
.L_overlay_start_0:
0x88: {  	s2 =	sld [smem:$0x3FD9]  }
0x89: {  	s3 =	sld [smem:$0x3FFE];
	_ =	sdelay $0x1  }
0x8a: {  	s1 =	srdreg.scid  }
0x8b: {  	s0 =	sand.u32 $0x1, s1  }
0x8c: {  	s17 =	sshll.u32 s0, $0xA;
	s2 =	sadd.s32 s3, s2  }
0x8d: {  	s2 =	sadd.s32 s2, s17  }
0x8e: {  	[smem:$0x3FC4] =	sst s2  }
0x8f: {  	_ = 	snop  }
0x90: {  	s2 =	sld [smem:$0x3FC9]  }
0x91: {  	s18 =	sld [smem:$0x3FD0];
	(tm) =	ssettm $0x1  }
0x92: {  	s4 =	sld [smem:$0x3FFB];
	_ =	sdelay $0x3  }
0x93: {  	_ =	strace s4  }
0x94: {  	s4 =	sld [smem:$0x3FFC];
	_ =	sdelay $0x3  }
0x95: {  	_ =	strace s4  }
0x96: {  	s4 =	sld [smem:$0x3FFD];
	_ =	sdelay $0x3  }
0x97: {  	_ =	strace s4  }
0x98: {  	_ =	strace $0x8FFFFFFF  }
0x99: {  	s19 =	sld [smem:$0x3FDB];
	_ =	sdelay $0x1  }
0x9a: {  	s5 =	simm.s32 $_scs_section_size  }
0x9b: {  	s6 =	simm.s32 $_size__tile_overlayer_lowered;
	s7 =	simm.s32 $_tile_overlayer_lowered  }
0x9c: {  	s22 =	simm.s32 $0x1BFF;
	s21 =	sshll.u32 s7, $0x1;
	s4 =	sadd.s32 s5, s19  }
0x9d: {  	s8 =	simm.s32 $0x0;
	s20 =	sshll.u32 s6, $0x1;
	s6 =	sadd.s32 s21, s4  }
0x9e: {  	[timem:s8], [sflag:s22] =	dma.local [hbm:s6], s20  }
0x9f: {  	_ =	swait.ge [sflag:s22], s20  }
0xa0: {  	s5 =	ssub.s32 $0x0, s20;
	[sflag:s22] =	ssyncset.done $0x0  }
0xa1: {  	[sflag:s22] =	ssyncadd.s32 s5;
	_ =	sdelay $0x1  }
0xa2: {  	s23 =	simm.s32 $0x1B8B  }
0xa3: {  	_ =	swait.ge [sflag:s23], $0x1  }
0xa4: {  	[sflag:s23] =	ssyncset.done $0x0  }
0xa5: {  	s25 =	simm.s32 $0x1B8E;
	s24 =	sld [smem:$0x3FFE];
	[sflag:s23] =	ssyncadd.s32 $0xFFFFFFFF  }
0xa6: {  	s26 =	simm.s32 $execute0_lowered;
	[smem:$0x3FD2] =	sst s25  }
0xa7: {  	s6 =	sshll.u32 s26, $0x1;
	_ =	strace $0x80000046;
	[dreg:$0x1] =	wrdreg $0xFFFFFFFF  }
0xa8: {  	s28 =	simm.s32 $_size_execute0_lowered;
	s4 =	sadd.s32 s4, s6;
	[dreg:$0x0] =	wrdreg $0x0  }
0xa9: {  	s6 =	sshll.u32 s28, $0x1;
	[dreg:$0x2] =	wrdreg s4  }
0xaa: {  	[dreg:$0x3] =	wrdreg s6  }
0xab: {  	[dreg:$0x4] =	wrdreg $0xC0  }
0xac: {  	_ =	task [dreg:s8], $0x5FFFF  }
0xad: {  	[dreg:$0x1] =	wrdreg $0xFFFFFFFF  }
0xae: {  	[dreg:$0x0] =	wrdreg $0x60  }
0xaf: {  	[dreg:$0x2] =	wrdreg s2  }
0xb0: {  	[dreg:$0x3] =	wrdreg s24  }
0xb1: {  	[dreg:$0x4] =	wrdreg s18  }
0xb2: {  	[dreg:$0x5] =	wrdreg $0x9  }
0xb3: {  	_ =	task.clear_ibuf [dreg:s8], $0x6FFFF;
	_ =	strace $0x90000046  }
0xb4: {  	s29 =	simm.s32 $0x9;
	_ =	strace $0x80000048  }
0xb5: {  	_ =	swait.ge [sflag:s29], $0x1  }
0xb6: {  	[sflag:s29] =	ssyncadd.s32 $0xFFFFFFFF  }
0xb7: {  	_ =	strace $0x90000048  }
0xb8: {  	_ =	sfence  }
0xb9: {  	s30 =	sld [smem:$0x0];
	_ =	sdelay $0x2  }
0xba: {  	s31 =	sshll.u32 s1, $0xD;
	s1 =	sshrl.u32 s1, $0x2  }
0xbb: {  	s3 =	sand.u32 $0x4000, s31;
	s1 =	sadd.s32 s1, s30  }
0xbc: {  	s0 =	sor.u32 s3, s0;
	s1 =	sshll.u32 s1, $0x11  }
0xbd: {  	s0 =	sor.u32 s1, s0  }
0xbe: {  	s0 =	sadd.s32 $0x8F2B, s0  }
0xbf: {  	[sflag:s0] =	ssyncadd.remote.s32 $0x1  }
0xc0: {  	_ =	sfence.sel $0xFFFF  }
0xc1: {  	[dreg:$0x0] =	wrdreg $0xFFFFFFFF;
	(pc) =	sbr.abs _section_cstart, $3  }
0xc2: {  	[dreg:$0x1] =	wrdreg $0xFFFFFFFF  }
0xc3: {  	_ =	task.clear_ibuf [dreg:s8], $0x2FFFF;
	_ =	strace $0x9FFFFFFF  }
0xc4: {  	(tm) =	ssettm $0x7FFFFFFF  }
0xc5: {  	_ =	shalt  }
tec
execute0_lowered:
.L_overlay_start_1:
0x0: {  	(tag) =	ssettag $0x1  }
0x1: {  	s1 =	srdreg.scid;
	s0 =	stileid.u32  }
0x2: {  	s6 =	sand.u32 $0x1, s1;
	s4 =	sshll.u32 s0, $0x1  }
0x3: {  	s9 =	sor.u32 s6, s4  }
0x4: {  	p0 =	sgt.u32 s9, $0x18  }
.Ltmp0:
0x5: {  	s3 =	rddreg [dreg:$0x0];
	(pc) =	sbr.rel @p0 .LBB2_4-.Ltmp0, $4  }
0x6: {  	s5 =	rddreg [dreg:$0x1]  }
0x7: {  	s8 =	rddreg [dreg:$0x2];
	s2 =	simm.s32 $0x0  }
0x8: {  	[smem:$0x7FF] =	sst s2  }
0x9: {  	s1 =	rddreg [dreg:$0x3];
	_ =	strace $0x80000047  }
0xa: {  	s4 =	sadd.s32 s3, s9;
	s3 =	simm.s32 $0x2;
	s10 =	ssub.s32 $0x2, s6  }
0xb: {  	[tilespmem:s2], [sflag:$0x2] =	stream.linear.gather [hbm4b:s4+s2], $0x8, $0x38;
	[tilespmem:$0x208] =	vst v63  }
0xc: {  	s5 =	sadd.s32 $0xF42400, s5;
	s11 =	sshrl.u32 s10, $0x1;
	_ =	swait.ge [sflag:s3], $0x8  }
0xd: {  	s6 =	simm.s32 $0x8;
	s10 =	ssub.s32 s10, s11;
	[sflag:s3] =	ssyncset.done $0x0  }
0xe: {  	s7 =	simm.s32 $0x1;
	s31 =	smax.u32 s10, $0x1;
	[sflag:s3] =	ssyncadd.s32 $0xFFFFFFF8  }
0xf: {  	[tilespmem:s6], [sflag:$0x1] =	stream.indirect.gather [hbm4b:s5+s6], $0x40, s2, s6, $0xb8;
	[tilespmem:$0x208] =	vst v63  }
0x10: {  	p0 =	sne.s32 s31, $0x1;
	_ =	swait.ge [sflag:s7], $0x200  }
.Ltmp1:
0x11: {  	s30 =	sshll.u32 s9, $0x6;
	[sflag:s7] =	ssyncset.done $0x0;
	(pc) =	sbr.rel @!p0 .LBB2_3-.Ltmp1, $4  }
0x12: {  	s8 =	sadd.s32 s8, s30;
	[sflag:s7] =	ssyncadd.s32 $0xFFFFFE00  }
0x13: {  	[hbm4b:s8+s2] =	stream.linear.scatter [tilespmem:s6], [sflag:$0x2], $0x200, $0x38;
	[tilespmem:$0x208] =	vst v63  }
0x14: {  	_ =	swait.ge [sflag:s3], $0x200  }
0x15: {  	s9 =	sadd.s32 $0xFFFFFFFF, s31;
	[sflag:s3] =	ssyncset.done $0x0  }
.LBB2_2:
0x16: {  	p0 =	sne.s32 s9, $0x1;
	s9 =	sadd.s32 $0xFFFFFFFF, s9;
	[sflag:s3] =	ssyncadd.s32 $0xFFFFFE00  }
0x17: {  	[tilespmem:s2], [sflag:$0x2] =	stream.linear.gather [hbm4b:s4+s2], $0x8, $0x38;
	[tilespmem:$0x208] =	vst v63  }
0x18: {  	_ =	swait.ge [sflag:s3], $0x8  }
0x19: {  	[sflag:s3] =	ssyncset.done $0x0  }
0x1a: {  	[sflag:s3] =	ssyncadd.s32 $0xFFFFFFF8  }
0x1b: {  	[tilespmem:s6], [sflag:$0x1] =	stream.indirect.gather [hbm4b:s5+s6], $0x40, s2, s6, $0xb8;
	[tilespmem:$0x208] =	vst v63  }
0x1c: {  	_ =	swait.ge [sflag:s7], $0x200  }
.Ltmp2:
0x1d: {  	[sflag:s7] =	ssyncset.done $0x0;
	(pc) =	sbr.rel @p0 .LBB2_2-.Ltmp2, $4  }
0x1e: {  	[sflag:s7] =	ssyncadd.s32 $0xFFFFFE00  }
0x1f: {  	[hbm4b:s8+s2] =	stream.linear.scatter [tilespmem:s6], [sflag:$0x2], $0x200, $0x38;
	[tilespmem:$0x208] =	vst v63  }
0x20: {  	_ =	swait.ge [sflag:s3], $0x200  }
0x21: {  	[sflag:s3] =	ssyncset.done $0x0  }
.LBB2_3:
0x22: {  	[sflag:s3] =	ssyncadd.s32 $0xFFFFFE00  }
.LBB2_4:
0x23: {  	_ =	sfence.sel $0x180000  }
0x24: {  	[bflag:$0x0] =	sbarrier.arrive $0xFFFF  }
0x25: {  	p0 =	sne.s32 s0, $0x0;
	_ =	strace $0x90000047  }
0x26: {  	s0 =	sadd.s32 @!p0 $0x100000, s1;
	[bflag:$0x2] =	sbarrier.arrive $0xFFFF  }
0x27: {  	[sflag:s0] =	ssyncadd.tile.s32 @!p0 $0x1;
	_ =	shalt  }
.Lfunc_end2:
_tile_overlayer_lowered:
.L_overlay_start_2:
0x28: {  	(tag) =	ssettag $0x2  }
0x29: {  	s0 =	rddreg [dreg:$0x0];
	s2 =	stileid.u32  }
0x2a: {  	s1 =	rddreg [dreg:$0x1];
	p0 =	sne.s32 s2, $0x0  }
0x2b: {  	s3 =	rddreg [dreg:$0x2];
	[bflag:$0x3] =	sbarrier.arrive $0xFFFF;
	s2 =	simm.s32 @!p0 $0x1C02  }
0x2c: {  	[timem:s3], [sflag:s2] =	dma.local @!p0 [hbm:s0], s1  }
0x2d: {  	s0 =	simm.s32 @!p0 $0x2  }
0x2e: {  	_ =	swait.ge @!p0 [sflag:s0], s1  }
0x2f: {  	s1 =	ssub.s32 @!p0 $0x0, s1;
	[sflag:s0] =	ssyncset.done @!p0 $0x0  }
0x30: {  	[sflag:s0] =	ssyncadd.s32 @!p0 s1  }
0x31: {  	[bflag:$0x3] =	sbarrier.arrive $0xFFFF  }
0x32: {  	_ =	shalt  }

</sc_bundles>
